<compile_context>
chip_gen: v7x
topology: tpu7x:2x2x1
jax: 0.10.2.dev20260603
libtpu: 0.0.44.dev20260713+nightly
codegen_flags: <defaults>
</compile_context>

<pallas_src>
import jax
import jax.numpy as jnp
from jax import lax
from jax.experimental import pallas as pl
from jax.experimental.pallas import tpu as pltpu
from jax.experimental.pallas import tpu_sc as plsc

V = 1000000
E = 64
BINS = 30
B = 4096
Q = 20
QP = 24
D = 200
DP = 256

NQ_ROWS = B * QP
ND_ROWS = B * D
NW = 32
QROWS_PER_W = NQ_ROWS // NW
DROWS_PER_W = ND_ROWS // NW
GCHUNK = 1024
NQ_CHUNKS = QROWS_PER_W // GCHUNK
ND_CHUNKS = DROWS_PER_W // GCHUNK

BB = 32
NEG_BIG = -1e30



def _sc_gather_body(qidx_hbm, didx_hbm, table_hbm, outq_hbm, outd_hbm,
                    idx_v, rows_v, sem):
    wid = lax.axis_index("s") * 2 + lax.axis_index("c")

    def qchunk(i, carry):
        off = wid * QROWS_PER_W + i * GCHUNK
        pltpu.sync_copy(qidx_hbm.at[pl.ds(off, GCHUNK)], idx_v)
        pltpu.async_copy(table_hbm.at[idx_v], rows_v, sem).wait()
        pltpu.sync_copy(rows_v, outq_hbm.at[pl.ds(off, GCHUNK)])
        return carry

    def dchunk(i, carry):
        off = wid * DROWS_PER_W + i * GCHUNK
        pltpu.sync_copy(didx_hbm.at[pl.ds(off, GCHUNK)], idx_v)
        pltpu.async_copy(table_hbm.at[idx_v], rows_v, sem).wait()
        pltpu.sync_copy(rows_v, outd_hbm.at[pl.ds(off, GCHUNK)])
        return carry

    lax.fori_loop(0, NQ_CHUNKS, qchunk, 0, unroll=False)
    lax.fori_loop(0, ND_CHUNKS, dchunk, 0, unroll=False)


@jax.jit
def _sc_gather(qidx, didx, table):
    mesh = plsc.VectorSubcoreMesh(core_axis_name="c", subcore_axis_name="s")
    f = pl.kernel(
        _sc_gather_body,
        out_type=(
            jax.ShapeDtypeStruct((NQ_ROWS, E), jnp.float32),
            jax.ShapeDtypeStruct((ND_ROWS, E), jnp.float32),
        ),
        mesh=mesh,
        compiler_params=pltpu.CompilerParams(use_tc_tiling_on_sc=False),
        scratch_types=[
            pltpu.VMEM((GCHUNK,), jnp.int32),
            pltpu.VMEM((GCHUNK, E), jnp.float32),
            pltpu.SemaphoreType.DMA,
        ],
    )
    return f(qidx, didx, table)



def _tc_body(qe_ref, de_ref, qt_ref, dt_ref, w_ref, mW1_ref, mb1_ref,
             mW2_ref, mb2_ref, gW1_ref, gb1_ref, gW2_ref, gb2_ref, out_ref,
             s_ref):
    qm = (qt_ref[...] > 1).astype(jnp.float32)
    dm = (dt_ref[...] > 1).astype(jnp.float32)
    qe = qe_ref[...] * qm
    de = de_ref[...] * dm

    qnorm = jnp.sqrt(jnp.sum(qe * qe, axis=1, keepdims=True))
    qn = qe / jnp.maximum(qnorm, 1e-13)
    dnorm = jnp.sqrt(jnp.sum(de * de, axis=1, keepdims=True))
    dn = de / jnp.maximum(dnorm, 1e-13)

    for i in range(BB):
        qni = qn[i * QP:(i + 1) * QP, :]
        dni = dn[i * D:(i + 1) * D, :]
        raw = lax.dot_general(qni, dni, (((1,), (1,)), ((), ())),
                              preferred_element_type=jnp.float32)
        s_ref[i * QP:(i + 1) * QP, 0:D] = (raw + 1.0) * (BINS / 2.0)
    s_ref[:, D:DP] = jnp.full((BB * QP, DP - D), -1.0, jnp.float32)

    sv = s_ref[...]
    terms = [lax.dot_general((sv >= float(k)).astype(jnp.bfloat16),
                             w_ref[(k - 1) * DP:k * DP, :],
                             (((1,), (0,)), ((), ())),
                             preferred_element_type=jnp.float32)
             for k in range(1, BINS)]
    while len(terms) > 1:
        terms = [terms[i] + terms[i + 1] for i in range(0, len(terms) - 1, 2)] \
            + ([terms[-1]] if len(terms) % 2 else [])
    lane = lax.broadcasted_iota(jnp.int32, (1, 32), 1)
    hist = terms[0] + jnp.where(lane == 0, float(D), 0.0)

    h = jnp.log1p(hist)
    m1 = jnp.tanh(
        lax.dot_general(h, mW1_ref[...], (((1,), (0,)), ((), ())),
                        preferred_element_type=jnp.float32) + mb1_ref[...])
    cls = jnp.tanh(
        lax.dot_general(m1, mW2_ref[...], (((1,), (0,)), ((), ())),
                        preferred_element_type=jnp.float32)[:, 0:1]
        + mb2_ref[...])

    g1 = jnp.tanh(
        lax.dot_general(qe, gW1_ref[...], (((1,), (0,)), ((), ())),
                        preferred_element_type=jnp.float32)
        + gb1_ref[...])
    graw = jnp.tanh(
        lax.dot_general(g1, gW2_ref[...], (((1,), (0,)), ((), ())),
                        preferred_element_type=jnp.float32)[:, 0:1]
        + gb2_ref[...])

    for i in range(BB):
        gr = graw[i * QP:(i + 1) * QP, :]
        qmi = qm[i * QP:(i + 1) * QP, :]
        xm = jnp.where(qmi > 0.0, gr, NEG_BIG)
        xmax = jnp.max(xm, axis=0, keepdims=True)
        ex = jnp.exp(gr - xmax) * qmi
        gate = ex / jnp.sum(ex, axis=0, keepdims=True)
        ci = cls[i * QP:(i + 1) * QP, :]
        out_ref[i:i + 1, :] = jnp.sum(ci * gate, axis=0, keepdims=True)


@jax.jit
def _tc_compute(qe2, de2, qt2, dt2, wsgn, mW1p, mb1p, mW2p, mb2p, gW1,
                gb1p, gW2p, gb2p):
    nsteps = B // BB

    def wspec(r, c):
        return pl.BlockSpec((r, c), lambda i: (0, 0))

    return pl.pallas_call(
        _tc_body,
        grid=(nsteps,),
        in_specs=[
            pl.BlockSpec((BB * QP, E), lambda i: (i, 0)),
            pl.BlockSpec((BB * D, E), lambda i: (i, 0)),
            pl.BlockSpec((BB * QP, 1), lambda i: (i, 0)),
            pl.BlockSpec((BB * D, 1), lambda i: (i, 0)),
            wspec((BINS - 1) * DP, 32),
            wspec(32, 32), wspec(1, 32), wspec(32, 8), wspec(1, 1),
            wspec(E, E), wspec(1, E), wspec(E, 8), wspec(1, 1),
        ],
        out_specs=pl.BlockSpec((BB, 1), lambda i: (i, 0)),
        out_shape=jax.ShapeDtypeStruct((B, 1), jnp.float32),
        scratch_shapes=[pltpu.VMEM((BB * QP, DP), jnp.float32)],
    )(qe2, de2, qt2, dt2, wsgn, mW1p, mb1p, mW2p, mb2p, gW1, gb1p, gW2p,
      gb2p)


def kernel(query_tokens, document_tokens, table, mW1, mb1, mW2, mb2,
           gW1, gb1, gW2, gb2):
    qtp = jnp.pad(query_tokens, ((0, 0), (0, QP - Q)))
    qpad_rows = (jnp.arange(B * (QP - Q), dtype=jnp.int32) % V).reshape(
        B, QP - Q)
    qidx = jnp.concatenate([query_tokens, qpad_rows], axis=1).reshape(-1)
    didx = document_tokens.reshape(-1)

    qe2, de2 = _sc_gather(qidx, didx, table)
    qt2 = qtp.reshape(B * QP, 1)
    dt2 = document_tokens.reshape(B * D, 1)

    kk = jnp.arange(1, BINS)[:, None, None]
    lane32 = jnp.arange(32)[None, None, :]
    wsgn = jnp.where(lane32 == kk, 1.0,
                     jnp.where(lane32 == kk - 1, -1.0, 0.0))
    wsgn = jnp.broadcast_to(wsgn, (BINS - 1, DP, 32)).reshape(
        (BINS - 1) * DP, 32).astype(jnp.bfloat16)

    mW1p = jnp.zeros((32, 32), jnp.float32).at[:BINS, :BINS].set(mW1)
    mb1p = jnp.zeros((1, 32), jnp.float32).at[0, :BINS].set(mb1)
    mW2p = jnp.zeros((32, 8), jnp.float32).at[:BINS, 0].set(mW2[:, 0])
    mb2p = mb2.reshape(1, 1)
    gb1p = gb1.reshape(1, E)
    gW2p = jnp.zeros((E, 8), jnp.float32).at[:, 0].set(gW2[:, 0])
    gb2p = gb2.reshape(1, 1)

    return _tc_compute(qe2, de2, qt2, dt2, wsgn, mW1p, mb1p, mW2p, mb2p,
                       gW1, gb1p, gW2p, gb2p)

# --- scband reference (transcript-rebuilt; emitter-appended) ---
"""Pipeline reference for scband-drmm-1503238554328 (READ-ONLY COPY).

The authoritative reference and input builder live on the scoring server;
editing this copy changes nothing except your own understanding.
"""

import jax, jax.numpy as jnp
import numpy as np

V = 1000000
E = 64
BINS = 30
B = 4096
Q = 20
D = 200


def setup_inputs(seed: int = 0) -> dict:
    key = jax.random.key(seed)
    ks = jax.random.split(key, 12)
    query_tokens = jax.random.randint(ks[0], (B, Q), 0, V, dtype=jnp.int64 if jax.config.jax_enable_x64 else jnp.int32).astype(jnp.int32)
    document_tokens = jax.random.randint(ks[1], (B, D), 0, V).astype(jnp.int32)
    table = jax.random.normal(ks[2], (V, E), dtype=jnp.float32) * 0.02
    mW1 = jax.random.normal(ks[3], (BINS, BINS), dtype=jnp.float32) * 0.1
    mb1 = jnp.zeros((BINS,), dtype=jnp.float32)
    mW2 = jax.random.normal(ks[4], (BINS, 1), dtype=jnp.float32) * 0.1
    mb2 = jnp.zeros((1,), dtype=jnp.float32)
    gW1 = jax.random.normal(ks[5], (E, E), dtype=jnp.float32) * 0.05
    gb1 = jnp.zeros((E,), dtype=jnp.float32)
    gW2 = jax.random.normal(ks[6], (E, 1), dtype=jnp.float32) * 0.05
    gb2 = jnp.zeros((1,), dtype=jnp.float32)
    return {
        'query_tokens': query_tokens,
        'document_tokens': document_tokens,
        'table': table,
        'mW1': mW1, 'mb1': mb1, 'mW2': mW2, 'mb2': mb2,
        'gW1': gW1, 'gb1': gb1, 'gW2': gW2, 'gb2': gb2,
    }


def _masked_softmax(x, mask):
    mask = mask.astype(jnp.float32)
    x_masked = x * mask + (1.0 - 1.0 / mask)  # mask==0 -> -inf
    x_max = jnp.max(x_masked, axis=1)
    x_exp = jnp.exp(x - x_max[:, None]) * mask
    return x_exp / jnp.sum(x_exp, axis=1, keepdims=True)


def reference(query_tokens, document_tokens, table, mW1, mb1, mW2, mb2, gW1, gb1, gW2, gb2):
    q_mask = (query_tokens > 1).astype(jnp.float32)
    d_mask = (document_tokens > 1).astype(jnp.float32)

    # embedding lookup (large gather - memory bound)
    q_emb = jnp.take(table, query_tokens, axis=0) * q_mask[..., None]
    d_emb = jnp.take(table, document_tokens, axis=0) * d_mask[..., None]

    # CosineMatrixAttention: normalized dot product
    qn = q_emb / jnp.maximum(jnp.linalg.norm(q_emb, axis=-1, keepdims=True), 1e-13)
    dn = d_emb / jnp.maximum(jnp.linalg.norm(d_emb, axis=-1, keepdims=True), 1e-13)
    cos = jnp.einsum('bqe,bde->bqd', qn, dn)  # [B, Q, D]

    # histogram over doc dimension: bins=BINS over [-1, 1] (torch.histc semantics)
    bin_idx = jnp.clip(jnp.floor((cos + 1.0) * (BINS / 2.0)).astype(jnp.int32), 0, BINS - 1)
    b_idx = jnp.arange(B, dtype=jnp.int32)[:, None, None]
    q_idx = jnp.arange(Q, dtype=jnp.int32)[None, :, None]
    flat = (b_idx * Q + q_idx) * BINS + bin_idx  # [B, Q, D]
    hist = jax.ops.segment_sum(
        jnp.ones((B * Q * D,), dtype=jnp.float32),
        flat.reshape(-1),
        num_segments=B * Q * BINS,
    ).reshape(B, Q, BINS)

    # matching classifier: FeedForward(bins -> bins tanh -> 1 tanh) on log1p(hist)
    h = jnp.log1p(hist)
    m1 = jnp.tanh(h @ mW1 + mb1)
    classified = jnp.tanh(m1 @ mW2 + mb2)  # [B, Q, 1]

    # query gate: FeedForward(E -> E tanh -> 1 tanh)
    g1 = jnp.tanh(q_emb @ gW1 + gb1)
    gates_raw = jnp.tanh(g1 @ gW2 + gb2)[..., 0]  # [B, Q]
    gates = _masked_softmax(gates_raw, q_mask)[..., None]  # [B, Q, 1]

    scores = jnp.sum(classified * gates, axis=1)  # [B, 1]
    return scores

if __name__ == "__main__":
    import jax
    _d = setup_inputs()
    print(jax.jit(kernel)(*tuple(_d.values())))

</pallas_src>

<mosaic_0001>
#map = affine_map<(d0, d1) -> (0)>
#map1 = affine_map<(d0, d1) -> (0, 0)>
module attributes {stable_mosaic.version = 14 : i64} {
  func.func @_sc_gather_body(%arg0: i32, %arg1: i32, %arg2: memref<98304xi32, #tpu.memory_space<hbm>>, %arg3: memref<819200xi32, #tpu.memory_space<hbm>>, %arg4: memref<1000000x64xf32, #tpu.memory_space<hbm>>, %arg5: memref<98304x64xf32, #tpu.memory_space<hbm>>, %arg6: memref<819200x64xf32, #tpu.memory_space<hbm>>, %arg7: memref<1024xi32, #tpu.memory_space<vmem>>, %arg8: memref<1024x64xf32, #tpu.memory_space<vmem>>, %arg9: memref<!tpu.dma_semaphore, #tpu.memory_space<semaphore_mem>>) attributes {dimension_semantics = [#tpu.dimension_semantics<core_parallel>, #tpu.dimension_semantics<subcore_parallel>], iteration_bounds = array<i64: 2, 16>, scalar_prefetch = 0 : i64, scratch_operands = 3 : i64, tpu.core_type = #tpu.core_type<sc_vector_subcore>, window_params = [{transform_indices = #map}, {transform_indices = #map}, {transform_indices = #map1}, {transform_indices = #map1}, {transform_indices = #map1}]} {
    %mul3A = arith.constant 2 : i32
    %mul3A_0 = arith.muli %arg1, %mul3A : i32
    %add3A = arith.addi %mul3A_0, %arg0 : i32
    %scan3A = arith.constant 0 : i32
    %scan3A_1 = arith.constant 0 : i32
    %scan3A_2 = arith.constant 3 : i32
    %scan3A_3 = arith.addi %scan3A_1, %scan3A_2 : i32
    %scan3A_4 = arith.constant 1 : i32
    scf.for %scan3A_12 = %scan3A_1 to %scan3A_3 step %scan3A_4  : i32 {
      %mul3A_13 = arith.constant 3072 : i32
      %mul3A_14 = arith.muli %add3A, %mul3A_13 : i32
      %mul3A_15 = arith.constant 1024 : i32
      %mul3A_16 = arith.muli %scan3A_12, %mul3A_15 : i32
      %add3A_17 = arith.addi %mul3A_14, %mul3A_16 : i32
      "tpu.region"() ({
        %run_scoped3A = tpu.sem_alloc : memref<!tpu.dma_semaphore, #tpu.memory_space<semaphore_mem>>
        %dma_start3A_22 = tpu.memref_slice %arg2[%add3A_17] : memref<98304xi32, #tpu.memory_space<hbm>> -> memref<1024xi32, #tpu.memory_space<hbm>>
        %dma_start3A_23 = tpu.memref_slice %arg2[%add3A_17] : memref<98304xi32, #tpu.memory_space<hbm>> -> memref<1024xi32, #tpu.memory_space<hbm>>
        tpu.enqueue_dma source(%dma_start3A_23 : memref<1024xi32, #tpu.memory_space<hbm>>) target(%arg7 : memref<1024xi32, #tpu.memory_space<vmem>>) target_semaphore(%run_scoped3A : memref<!tpu.dma_semaphore, #tpu.memory_space<semaphore_mem>>)
        %dma_wait3A_24 = tpu.memref_slice %arg2[%add3A_17] : memref<98304xi32, #tpu.memory_space<hbm>> -> memref<1024xi32, #tpu.memory_space<hbm>>
        %dma_wait3A_25 = tpu.memref_slice %arg2[%add3A_17] : memref<98304xi32, #tpu.memory_space<hbm>> -> memref<1024xi32, #tpu.memory_space<hbm>>
        tpu.wait_dma2 semaphore(%run_scoped3A : memref<!tpu.dma_semaphore, #tpu.memory_space<semaphore_mem>>) src(%dma_wait3A_25 : memref<1024xi32, #tpu.memory_space<hbm>>) dst(%arg7 : memref<1024xi32, #tpu.memory_space<vmem>>)
        tpu.yield
      }) : () -> ()
      %dma_start3A = arith.constant 0 : i32
      %dma_start3A_18 = arith.constant 0 : i32
      %dma_start3A_19 = tpu.memref_slice %arg4[%dma_start3A, %dma_start3A_18] : memref<1000000x64xf32, #tpu.memory_space<hbm>> -> memref<1000000x64xf32, #tpu.memory_space<hbm>>
      tpu.enqueue_indirect_dma source(%dma_start3A_19 : memref<1000000x64xf32, #tpu.memory_space<hbm>>) target(%arg8 : memref<1024x64xf32, #tpu.memory_space<vmem>>) offsets(%arg7 : memref<1024xi32, #tpu.memory_space<vmem>>) semaphore(%arg9 : memref<!tpu.dma_semaphore, #tpu.memory_space<semaphore_mem>>)
      %dma_wait3A = arith.constant 0 : i32
      %dma_wait3A_20 = arith.constant 0 : i32
      %dma_wait3A_21 = tpu.memref_slice %arg4[%dma_wait3A, %dma_wait3A_20] : memref<1000000x64xf32, #tpu.memory_space<hbm>> -> memref<1000000x64xf32, #tpu.memory_space<hbm>>
      tpu.wait_indirect_dma semaphore(%arg9 : memref<!tpu.dma_semaphore, #tpu.memory_space<semaphore_mem>>) src(%dma_wait3A_21 : memref<1000000x64xf32, #tpu.memory_space<hbm>>) dst(%arg8 : memref<1024x64xf32, #tpu.memory_space<vmem>>)
      "tpu.region"() ({
        %run_scoped3A = tpu.sem_alloc : memref<!tpu.dma_semaphore, #tpu.memory_space<semaphore_mem>>
        %dma_start3A_22 = arith.constant 0 : i32
        %dma_start3A_23 = tpu.memref_slice %arg5[%add3A_17, %dma_start3A_22] : memref<98304x64xf32, #tpu.memory_space<hbm>> -> memref<1024x64xf32, #tpu.memory_space<hbm>>
        %dma_start3A_24 = arith.constant 0 : i32
        %dma_start3A_25 = tpu.memref_slice %arg5[%add3A_17, %dma_start3A_24] : memref<98304x64xf32, #tpu.memory_space<hbm>> -> memref<1024x64xf32, #tpu.memory_space<hbm>>
        tpu.enqueue_dma source(%arg8 : memref<1024x64xf32, #tpu.memory_space<vmem>>) target(%dma_start3A_25 : memref<1024x64xf32, #tpu.memory_space<hbm>>) target_semaphore(%run_scoped3A : memref<!tpu.dma_semaphore, #tpu.memory_space<semaphore_mem>>)
        %dma_wait3A_26 = arith.constant 0 : i32
        %dma_wait3A_27 = tpu.memref_slice %arg5[%add3A_17, %dma_wait3A_26] : memref<98304x64xf32, #tpu.memory_space<hbm>> -> memref<1024x64xf32, #tpu.memory_space<hbm>>
        %dma_wait3A_28 = arith.constant 0 : i32
        %dma_wait3A_29 = tpu.memref_slice %arg5[%add3A_17, %dma_wait3A_28] : memref<98304x64xf32, #tpu.memory_space<hbm>> -> memref<1024x64xf32, #tpu.memory_space<hbm>>
        tpu.wait_dma2 semaphore(%run_scoped3A : memref<!tpu.dma_semaphore, #tpu.memory_space<semaphore_mem>>) src(%arg8 : memref<1024x64xf32, #tpu.memory_space<vmem>>) dst(%dma_wait3A_29 : memref<1024x64xf32, #tpu.memory_space<hbm>>)
        tpu.yield
      }) : () -> ()
    }
    %scan3A_5 = arith.constant 3 : i32
    %scan3A_6 = arith.constant 0 : i32
    %scan3A_7 = arith.constant 0 : i32
    %scan3A_8 = arith.constant 25 : i32
    %scan3A_9 = arith.addi %scan3A_7, %scan3A_8 : i32
    %scan3A_10 = arith.constant 1 : i32
    scf.for %scan3A_12 = %scan3A_7 to %scan3A_9 step %scan3A_10  : i32 {
      %mul3A_13 = arith.constant 25600 : i32
      %mul3A_14 = arith.muli %add3A, %mul3A_13 : i32
      %mul3A_15 = arith.constant 1024 : i32
      %mul3A_16 = arith.muli %scan3A_12, %mul3A_15 : i32
      %add3A_17 = arith.addi %mul3A_14, %mul3A_16 : i32
      "tpu.region"() ({
        %run_scoped3A = tpu.sem_alloc : memref<!tpu.dma_semaphore, #tpu.memory_space<semaphore_mem>>
        %dma_start3A_22 = tpu.memref_slice %arg3[%add3A_17] : memref<819200xi32, #tpu.memory_space<hbm>> -> memref<1024xi32, #tpu.memory_space<hbm>>
        %dma_start3A_23 = tpu.memref_slice %arg3[%add3A_17] : memref<819200xi32, #tpu.memory_space<hbm>> -> memref<1024xi32, #tpu.memory_space<hbm>>
        tpu.enqueue_dma source(%dma_start3A_23 : memref<1024xi32, #tpu.memory_space<hbm>>) target(%arg7 : memref<1024xi32, #tpu.memory_space<vmem>>) target_semaphore(%run_scoped3A : memref<!tpu.dma_semaphore, #tpu.memory_space<semaphore_mem>>)
        %dma_wait3A_24 = tpu.memref_slice %arg3[%add3A_17] : memref<819200xi32, #tpu.memory_space<hbm>> -> memref<1024xi32, #tpu.memory_space<hbm>>
        %dma_wait3A_25 = tpu.memref_slice %arg3[%add3A_17] : memref<819200xi32, #tpu.memory_space<hbm>> -> memref<1024xi32, #tpu.memory_space<hbm>>
        tpu.wait_dma2 semaphore(%run_scoped3A : memref<!tpu.dma_semaphore, #tpu.memory_space<semaphore_mem>>) src(%dma_wait3A_25 : memref<1024xi32, #tpu.memory_space<hbm>>) dst(%arg7 : memref<1024xi32, #tpu.memory_space<vmem>>)
        tpu.yield
      }) : () -> ()
      %dma_start3A = arith.constant 0 : i32
      %dma_start3A_18 = arith.constant 0 : i32
      %dma_start3A_19 = tpu.memref_slice %arg4[%dma_start3A, %dma_start3A_18] : memref<1000000x64xf32, #tpu.memory_space<hbm>> -> memref<1000000x64xf32, #tpu.memory_space<hbm>>
      tpu.enqueue_indirect_dma source(%dma_start3A_19 : memref<1000000x64xf32, #tpu.memory_space<hbm>>) target(%arg8 : memref<1024x64xf32, #tpu.memory_space<vmem>>) offsets(%arg7 : memref<1024xi32, #tpu.memory_space<vmem>>) semaphore(%arg9 : memref<!tpu.dma_semaphore, #tpu.memory_space<semaphore_mem>>)
      %dma_wait3A = arith.constant 0 : i32
      %dma_wait3A_20 = arith.constant 0 : i32
      %dma_wait3A_21 = tpu.memref_slice %arg4[%dma_wait3A, %dma_wait3A_20] : memref<1000000x64xf32, #tpu.memory_space<hbm>> -> memref<1000000x64xf32, #tpu.memory_space<hbm>>
      tpu.wait_indirect_dma semaphore(%arg9 : memref<!tpu.dma_semaphore, #tpu.memory_space<semaphore_mem>>) src(%dma_wait3A_21 : memref<1000000x64xf32, #tpu.memory_space<hbm>>) dst(%arg8 : memref<1024x64xf32, #tpu.memory_space<vmem>>)
      "tpu.region"() ({
        %run_scoped3A = tpu.sem_alloc : memref<!tpu.dma_semaphore, #tpu.memory_space<semaphore_mem>>
        %dma_start3A_22 = arith.constant 0 : i32
        %dma_start3A_23 = tpu.memref_slice %arg6[%add3A_17, %dma_start3A_22] : memref<819200x64xf32, #tpu.memory_space<hbm>> -> memref<1024x64xf32, #tpu.memory_space<hbm>>
        %dma_start3A_24 = arith.constant 0 : i32
        %dma_start3A_25 = tpu.memref_slice %arg6[%add3A_17, %dma_start3A_24] : memref<819200x64xf32, #tpu.memory_space<hbm>> -> memref<1024x64xf32, #tpu.memory_space<hbm>>
        tpu.enqueue_dma source(%arg8 : memref<1024x64xf32, #tpu.memory_space<vmem>>) target(%dma_start3A_25 : memref<1024x64xf32, #tpu.memory_space<hbm>>) target_semaphore(%run_scoped3A : memref<!tpu.dma_semaphore, #tpu.memory_space<semaphore_mem>>)
        %dma_wait3A_26 = arith.constant 0 : i32
        %dma_wait3A_27 = tpu.memref_slice %arg6[%add3A_17, %dma_wait3A_26] : memref<819200x64xf32, #tpu.memory_space<hbm>> -> memref<1024x64xf32, #tpu.memory_space<hbm>>
        %dma_wait3A_28 = arith.constant 0 : i32
        %dma_wait3A_29 = tpu.memref_slice %arg6[%add3A_17, %dma_wait3A_28] : memref<819200x64xf32, #tpu.memory_space<hbm>> -> memref<1024x64xf32, #tpu.memory_space<hbm>>
        tpu.wait_dma2 semaphore(%run_scoped3A : memref<!tpu.dma_semaphore, #tpu.memory_space<semaphore_mem>>) src(%arg8 : memref<1024x64xf32, #tpu.memory_space<vmem>>) dst(%dma_wait3A_29 : memref<1024x64xf32, #tpu.memory_space<hbm>>)
        tpu.yield
      }) : () -> ()
    }
    %scan3A_11 = arith.constant 25 : i32
    return
  }
}

</mosaic_0001>

<sc_bundles>
// kernel: _sc_gather.3.cloned.1.call-start
scs
__scs_entry_jumppad:
0x0: {  	(pc) =	sbr.rel $0x88, $3  }
0x1: {  	(tag) =	ssettag $0x0;
	lr =	simm.s32 $0x1  }
0x2: {  	[smem:$0x3F9E] =	sst lr;
	_ =	strace $0xD0000000  }
0x3: {  	_ = 	snop  }
0x4: {  	_ = 	snop  }
0x5: {  	_ = 	snop  }
0x6: {  	_ = 	snop  }
0x7: {  	_ = 	snop  }
__scs_overlays_trampoline_lowered:
0x8: {  	[smem:$0x3FAD] =	sst s0  }
0x9: {  	[smem:$0x3FAE] =	sst s1  }
0xa: {  	[smem:$0x3FAF] =	sst s2  }
0xb: {  	[smem:$0x3FB0] =	sst s3  }
0xc: {  	[smem:$0x3FB1] =	sst s4  }
0xd: {  	[smem:$0x3FB2] =	sst s5  }
0xe: {  	[smem:$0x3FB3] =	sst s6  }
0xf: {  	[smem:$0x3FB4] =	sst s7  }
0x10: {  	[smem:$0x3FB5] =	sst s8  }
0x11: {  	[smem:$0x3FB6] =	sst s9;
	s0 =	simm.s32 @!p0 $0x0  }
0x12: {  	s1 =	sld [smem:$0x3F9C];
	s0 =	simm.s32 @p0 $0x1  }
0x13: {  	[smem:$0x3FB7] =	sst s0;
	s0 =	simm.s32 @!p1 $0x0  }
0x14: {  	s2 =	sld [smem:$0x3F9B];
	s0 =	simm.s32 @p1 $0x1  }
0x15: {  	[smem:$0x3FB8] =	sst s0;
	s0 =	simm.s32 @!p2 $0x0  }
0x16: {  	s3 =	sld [smem:$0x3FDB];
	s0 =	simm.s32 @p2 $0x1  }
0x17: {  	s4 =	simm.s32 $0x1BF5;
	[smem:$0x3FBA] =	sst s0  }
0x18: {  	s0 =	sld [smem:$0x3F9D];
	_ =	swait.ge [sflag:s4], $0x0  }
0x19: {  	s7 =	sld [smem:$0x3F9E]  }
0x1a: {  	s8 =	sadd.s32 $0xFFFFE003, lr  }
0x1b: {  	s9 =	sadd.s32 $0xFFFFFEF7, lr;
	s5 =	simm.s32 $0xFFFFFFFF;
	p2 =	slt.u32 s8, $0xFFFFF086  }
0x1c: {  	p1 =	slt.u32 s9, $0xF7A;
	s5 =	simm.s32 @!p2 $0x0  }
0x1d: {  	s5 =	simm.s32 @p1 $0x1;
	p0 =	seq.s32 s7, s2  }
0x1e: {  	s7 =	smul.u32 @!p0 $0xF7A, s2;
	p2 =	seq.s32 @!p0 s5, $0x0  }
0x1f: {  	s9 =	smul.u32 $0xF7A, s1;
	s8 =	simm.s32 @!p0 $0x1BF5;
	p2 =	por !p2, p0  }
0x20: {  	[sflag:s8] =	ssyncset.s32 @!p0 $0xFFFFF086;
	s6 =	sadd.s32 @!p0 s3, s7;
	s7 =	simm.s32 @!p0 $0x108  }
0x21: {  	s3 =	sadd.s32 s3, s9;
	s6 =	sadd.s32 @!p0 $0x88, s6;
	s7 =	simm.s32 @p2 $0x1082  }
0x22: {  	[simem:s7], [sflag:s8] =	dma.local @!p0 [hbm:s6], $0xF7A  }
0x23: {  	s9 =	sor.u32 $0xD0000000, s2;
	s6 =	simm.s32 $0x108;
	_ =	swait.ge @!p0 [sflag:s8], $0x0  }
0x24: {  	s3 =	sadd.s32 $0x88, s3;
	s6 =	simm.s32 @!p1 $0x1082;
	[sflag:s4] =	ssyncset.s32 $0xFFFFF086  }
0x25: {  	[simem:s6], [sflag:s4] =	dma.local [hbm:s3], $0xF7A  }
0x26: {  	[smem:$0x3F9E] =	sst s1;
	(tag) =	ssettag s2;
	_ =	strace s9  }
0x27: {  	s1 =	sld [smem:$0x3FAE]  }
0x28: {  	s2 =	sld [smem:$0x3FAF]  }
0x29: {  	s4 =	sld [smem:$0x3FB1]  }
0x2a: {  	p0 =	seq.s32 s5, $0x0;
	s5 =	sld [smem:$0x3FB2]  }
0x2b: {  	s6 =	sld [smem:$0x3FB3]  }
0x2c: {  	s7 =	sld [smem:$0x3FB4]  }
0x2d: {  	s3 =	simm.s32 $0x108;
	s8 =	sld [smem:$0x3FB5]  }
0x2e: {  	s3 =	simm.s32 @!p0 $0x1082;
	s9 =	sld [smem:$0x3FB6]  }
0x2f: {  	lr =	sadd.s32 s0, s3;
	s0 =	sld [smem:$0x3FAD]  }
0x30: {  	s3 =	sld [smem:$0x3FB0]  }
0x31: {  	[smem:$0x3FB9] =	sst s10  }
0x32: {  	s10 =	sld [smem:$0x3FB7];
	_ =	sdelay $0x3  }
0x33: {  	p0 =	seq.s32 s10, $0x1;
	s10 =	sld [smem:$0x3FB9];
	_ =	sdelay $0x3  }
0x34: {  	[smem:$0x3FB9] =	sst s10  }
0x35: {  	s10 =	sld [smem:$0x3FB8];
	_ =	sdelay $0x3  }
0x36: {  	p1 =	seq.s32 s10, $0x1;
	s10 =	sld [smem:$0x3FB9];
	_ =	sdelay $0x3  }
0x37: {  	[smem:$0x3FB9] =	sst s10  }
0x38: {  	s10 =	sld [smem:$0x3FBA]  }
0x39: {  	_ = 	snop;
	(pc) =	sbr.ind lr, $3  }
0x3a: {  	_ = 	snop  }
0x3b: {  	_ = 	snop  }
0x3c: {  	p2 =	seq.s32 s10, $0x1;
	s10 =	sld [smem:$0x3FB9]  }
0x3d: {  	_ =	shalt  }
0x3e: {  	_ =	shalt  }
0x3f: {  	_ =	shalt  }
0x40: {  	_ =	shalt  }
0x41: {  	_ =	shalt  }
0x42: {  	_ =	shalt  }
0x43: {  	_ =	shalt  }
0x44: {  	_ =	shalt  }
0x45: {  	_ =	shalt  }
0x46: {  	_ =	shalt  }
0x47: {  	_ =	shalt  }
0x48: {  	_ =	shalt  }
0x49: {  	_ =	shalt  }
0x4a: {  	_ =	shalt  }
0x4b: {  	_ =	shalt  }
0x4c: {  	_ =	shalt  }
0x4d: {  	_ =	shalt  }
0x4e: {  	_ =	shalt  }
0x4f: {  	_ =	shalt  }
0x50: {  	_ =	shalt  }
0x51: {  	_ =	shalt  }
0x52: {  	_ =	shalt  }
0x53: {  	_ =	shalt  }
0x54: {  	_ =	shalt  }
0x55: {  	_ =	shalt  }
0x56: {  	_ =	shalt  }
0x57: {  	_ =	shalt  }
0x58: {  	_ =	shalt  }
0x59: {  	_ =	shalt  }
0x5a: {  	_ =	shalt  }
0x5b: {  	_ =	shalt  }
0x5c: {  	_ =	shalt  }
0x5d: {  	_ =	shalt  }
0x5e: {  	_ =	shalt  }
0x5f: {  	_ =	shalt  }
0x60: {  	_ =	shalt  }
0x61: {  	_ =	shalt  }
0x62: {  	_ =	shalt  }
0x63: {  	_ =	shalt  }
0x64: {  	_ =	shalt  }
0x65: {  	_ =	shalt  }
0x66: {  	_ =	shalt  }
0x67: {  	_ =	shalt  }
0x68: {  	_ =	shalt  }
0x69: {  	_ =	shalt  }
0x6a: {  	_ =	shalt  }
0x6b: {  	_ =	shalt  }
0x6c: {  	_ =	shalt  }
0x6d: {  	_ =	shalt  }
0x6e: {  	_ =	shalt  }
0x6f: {  	_ =	shalt  }
0x70: {  	_ =	shalt  }
0x71: {  	_ =	shalt  }
0x72: {  	_ =	shalt  }
0x73: {  	_ =	shalt  }
0x74: {  	_ =	shalt  }
0x75: {  	_ =	shalt  }
0x76: {  	_ =	shalt  }
0x77: {  	_ =	shalt  }
0x78: {  	_ =	shalt  }
0x79: {  	_ =	shalt  }
0x7a: {  	_ =	shalt  }
0x7b: {  	_ =	shalt  }
0x7c: {  	_ =	shalt  }
0x7d: {  	_ =	shalt  }
0x7e: {  	_ =	shalt  }
0x7f: {  	_ =	shalt  }
0x80: {  	_ =	shalt  }
0x81: {  	_ =	shalt  }
0x82: {  	_ =	shalt  }
0x83: {  	_ =	shalt  }
0x84: {  	_ =	shalt  }
0x85: {  	_ =	shalt  }
0x86: {  	_ =	shalt  }
0x87: {  	_ =	shalt  }
.Lfunc_end0:
.L_simem_size_0:
called_computation.1_lowered:
.L_overlay_start_0:
0x88: {  	s2 =	sld [smem:$0x3FD9]  }
0x89: {  	s3 =	sld [smem:$0x3FFE];
	_ =	sdelay $0x1  }
0x8a: {  	s1 =	srdreg.scid  }
0x8b: {  	s0 =	sand.u32 $0x1, s1  }
0x8c: {  	s14 =	sshll.u32 s0, $0xA;
	s2 =	sadd.s32 s3, s2  }
0x8d: {  	s2 =	sadd.s32 s2, s14  }
0x8e: {  	[smem:$0x3FC5] =	sst s2  }
0x8f: {  	_ = 	snop  }
0x90: {  	s2 =	sld [smem:$0x3FD0];
	_ =	sdelay $0x1  }
0x91: {  	s15 =	sld [smem:$0x3FC9]  }
0x92: {  	s5 =	simm.s32 $0xA;
	s6 =	simm.s32 $0x10;
	s4 =	sld [smem:$0x3FC8]  }
0x93: {  	[smem:s6], [sflag:s5] =	dma.local [hbm:s2], $0x1  }
0x94: {  	_ =	swait.eq [sflag:s5], $0x1  }
0x95: {  	[sflag:s5] =	ssyncset.done $0x0  }
0x96: {  	s16 =	sld [smem:$0x10];
	[sflag:s5] =	ssyncadd.s32 $0xFFFFFFFF  }
0x97: {  	s17 =	sld [smem:$0x11];
	(tm) =	ssettm $0x1  }
0x98: {  	s18 =	sld [smem:$0x3FFB];
	_ =	sdelay $0x3  }
0x99: {  	_ =	strace s18  }
0x9a: {  	s6 =	sld [smem:$0x3FFC];
	_ =	sdelay $0x3  }
0x9b: {  	_ =	strace s6  }
0x9c: {  	s6 =	sld [smem:$0x3FFD];
	_ =	sdelay $0x3  }
0x9d: {  	_ =	strace s6  }
0x9e: {  	_ =	strace $0x8FFFFFFF  }
0x9f: {  	s19 =	sld [smem:$0x3FDB];
	_ =	sdelay $0x1  }
0xa0: {  	s7 =	simm.s32 $_scs_section_size  }
0xa1: {  	s8 =	simm.s32 $_size__tile_overlayer_lowered;
	s9 =	simm.s32 $_tile_overlayer_lowered  }
0xa2: {  	s22 =	simm.s32 $0x1BFF;
	s21 =	sshll.u32 s9, $0x1;
	s6 =	sadd.s32 s7, s19  }
0xa3: {  	s10 =	simm.s32 $0x0;
	s20 =	sshll.u32 s8, $0x1;
	s8 =	sadd.s32 s21, s6  }
0xa4: {  	[timem:s10], [sflag:s22] =	dma.local [hbm:s8], s20  }
0xa5: {  	_ =	swait.ge [sflag:s22], s20  }
0xa6: {  	s7 =	ssub.s32 $0x0, s20;
	[sflag:s22] =	ssyncset.done $0x0  }
0xa7: {  	[sflag:s22] =	ssyncadd.s32 s7;
	_ =	sdelay $0x1  }
0xa8: {  	s23 =	simm.s32 $0x1B8B  }
0xa9: {  	_ =	swait.ge [sflag:s23], $0x1  }
0xaa: {  	[sflag:s23] =	ssyncset.done $0x0  }
0xab: {  	s25 =	simm.s32 $0x1B8E;
	s24 =	sld [smem:$0x3FFE];
	[sflag:s23] =	ssyncadd.s32 $0xFFFFFFFF  }
0xac: {  	s26 =	simm.s32 $execute0_lowered;
	[smem:$0x3FD2] =	sst s25  }
0xad: {  	s8 =	sshll.u32 s26, $0x1;
	_ =	strace $0x80000046;
	[dreg:$0x1] =	wrdreg $0xFFFFFFFF  }
0xae: {  	s28 =	simm.s32 $_size_execute0_lowered;
	s6 =	sadd.s32 s6, s8;
	[dreg:$0x0] =	wrdreg $0x0  }
0xaf: {  	s8 =	sshll.u32 s28, $0x1;
	[dreg:$0x2] =	wrdreg s6  }
0xb0: {  	[dreg:$0x3] =	wrdreg s8  }
0xb1: {  	[dreg:$0x4] =	wrdreg $0xC0  }
0xb2: {  	_ =	task [dreg:s10], $0x5FFFF  }
0xb3: {  	[dreg:$0x1] =	wrdreg $0xFFFFFFFF  }
0xb4: {  	[dreg:$0x0] =	wrdreg $0x60  }
0xb5: {  	[dreg:$0x2] =	wrdreg s15  }
0xb6: {  	[dreg:$0x3] =	wrdreg s4  }
0xb7: {  	[dreg:$0x4] =	wrdreg s24  }
0xb8: {  	[dreg:$0x5] =	wrdreg s16  }
0xb9: {  	[dreg:$0x6] =	wrdreg s17  }
0xba: {  	[dreg:$0x7] =	wrdreg $0x9  }
0xbb: {  	_ =	task.clear_ibuf [dreg:s10], $0x8FFFF;
	_ =	strace $0x90000046  }
0xbc: {  	s29 =	simm.s32 $0x9;
	_ =	strace $0x80000048  }
0xbd: {  	_ =	swait.ge [sflag:s29], $0x1  }
0xbe: {  	[sflag:s29] =	ssyncadd.s32 $0xFFFFFFFF  }
0xbf: {  	_ =	strace $0x90000048  }
0xc0: {  	_ =	sfence  }
0xc1: {  	s30 =	sld [smem:$0x0];
	_ =	sdelay $0x2  }
0xc2: {  	s31 =	sshll.u32 s1, $0xD;
	s1 =	sshrl.u32 s1, $0x2  }
0xc3: {  	s3 =	sand.u32 $0x4000, s31;
	s1 =	sadd.s32 s1, s30  }
0xc4: {  	s0 =	sor.u32 s3, s0;
	s1 =	sshll.u32 s1, $0x11  }
0xc5: {  	s0 =	sor.u32 s1, s0  }
0xc6: {  	s0 =	sadd.s32 $0x8F2B, s0  }
0xc7: {  	[sflag:s0] =	ssyncadd.remote.s32 $0x1  }
0xc8: {  	_ =	sfence.sel $0xFFFF  }
0xc9: {  	[dreg:$0x0] =	wrdreg $0xFFFFFFFF;
	(pc) =	sbr.abs _section_cstart, $3  }
0xca: {  	[dreg:$0x1] =	wrdreg $0xFFFFFFFF  }
0xcb: {  	_ =	task.clear_ibuf [dreg:s10], $0x2FFFF;
	_ =	strace $0x9FFFFFFF  }
0xcc: {  	(tm) =	ssettm $0x7FFFFFFF  }
0xcd: {  	_ =	shalt  }
tec
execute0_lowered:
.L_overlay_start_1:
0x0: {  	(tag) =	ssettag $0x1  }
0x1: {  	s5 =	rddreg [dreg:$0x0]  }
0x2: {  	s12 =	rddreg [dreg:$0x1]  }
0x3: {  	s1 =	srdreg.scid;
	s6 =	rddreg [dreg:$0x2]  }
0x4: {  	s0 =	stileid.u32;
	s11 =	rddreg [dreg:$0x3]  }
0x5: {  	s13 =	rddreg [dreg:$0x4];
	s16 =	smul.u32 $0xC800, s0  }
0x6: {  	s2 =	simm.s32 $0x0;
	s10 =	sand.u32 $0x1, s1;
	s28 =	smul.u32 $0x64000, s0  }
0x7: {  	s22 =	sshll.u32 s0, $0x1;
	s1 =	rddreg [dreg:$0x5];
	s17 =	smul.u32 $0x6400, s10  }
0x8: {  	[smem:$0x7FF] =	sst s2;
	s4 =	sor.u32 s10, s22;
	s29 =	smul.u32 $0x32000, s10  }
0x9: {  	s6 =	sadd.s32 $0xF43200, s6;
	s3 =	ssub.s32 $0x2, s10;
	s7 =	smul.u32 $0xC00, s4  }
0xa: {  	_ =	strace $0x80000047;
	s8 =	sshrl.u32 s3, $0x1;
	s23 =	smul.u32 $0x6000, s4  }
0xb: {  	s30 =	sadd.s32 s28, s13;
	s13 =	simm.s32 $0x2;
	s8 =	ssub.s32 s3, s8  }
0xc: {  	s26 =	sadd.s32 s17, s16;
	s16 =	simm.s32 $0x0;
	s9 =	sshrl.u32 s7, $0x3  }
0xd: {  	s14 =	sadd.s32 $0x400, s7;
	s15 =	sadd.s32 $0x800, s7;
	s31 =	sshrl.u32 s26, $0x3  }
0xe: {  	s3 =	sadd.s32 s5, s9;
	s24 =	sshrl.u32 s14, $0x3;
	s7 =	sshrl.u32 s15, $0x3  }
0xf: {  	s25 =	sshll.u32 s14, $0x3;
	s15 =	sshll.u32 s15, $0x3;
	s12 =	sadd.s32 s31, s12  }
0x10: {  	s14 =	simm.s32 $0x400;
	s4 =	sadd.s32 s5, s24;
	s5 =	sadd.s32 s5, s7  }
0x11: {  	s7 =	smax.u32 s8, $0x1;
	s8 =	sadd.s32 s11, s23;
	s9 =	sadd.s32 s11, s25  }
0x12: {  	s10 =	sadd.s32 s11, s15;
	s11 =	sadd.s32 s29, s30;
	s15 =	simm.s32 $0x1  }
.LBB2_1:
0x13: {  	[tilespmem:s2], [sflag:$0x2] =	stream.linear.gather [hbm4b:s3+s2], $0x400, $0x38;
	[tilespmem:$0x10400] =	vst v63  }
0x14: {  	_ =	swait.ge [sflag:s13], $0x400  }
0x15: {  	[sflag:s13] =	ssyncset.done $0x0  }
0x16: {  	[sflag:s13] =	ssyncadd.s32 $0xFFFFFC00  }
0x17: {  	[tilespmem:s14], [sflag:$0x1] =	stream.indirect.gather [hbm4b:s6+s14], $0x40, s2, s14, $0xb8;
	[tilespmem:$0x10400] =	vst v63  }
0x18: {  	_ =	swait.ge [sflag:s15], $0x10000  }
0x19: {  	[sflag:s15] =	ssyncset.done $0x0  }
0x1a: {  	[sflag:s15] =	ssyncadd.s32 $0xFFFF0000  }
0x1b: {  	[hbm4b:s8+s2] =	stream.linear.scatter [tilespmem:s14], [sflag:$0x2], $0x10000, $0x38;
	[tilespmem:$0x10400] =	vst v63  }
0x1c: {  	_ =	swait.ge [sflag:s13], $0x10000  }
0x1d: {  	[sflag:s13] =	ssyncset.done $0x0  }
0x1e: {  	[sflag:s13] =	ssyncadd.s32 $0xFFFF0000  }
0x1f: {  	[tilespmem:s2], [sflag:$0x2] =	stream.linear.gather [hbm4b:s4+s2], $0x400, $0x38;
	[tilespmem:$0x10400] =	vst v63  }
0x20: {  	_ =	swait.ge [sflag:s13], $0x400  }
0x21: {  	[sflag:s13] =	ssyncset.done $0x0  }
0x22: {  	[sflag:s13] =	ssyncadd.s32 $0xFFFFFC00  }
0x23: {  	[tilespmem:s14], [sflag:$0x1] =	stream.indirect.gather [hbm4b:s6+s14], $0x40, s2, s14, $0xb8;
	[tilespmem:$0x10400] =	vst v63  }
0x24: {  	_ =	swait.ge [sflag:s15], $0x10000  }
0x25: {  	[sflag:s15] =	ssyncset.done $0x0  }
0x26: {  	[sflag:s15] =	ssyncadd.s32 $0xFFFF0000  }
0x27: {  	[hbm4b:s9+s2] =	stream.linear.scatter [tilespmem:s14], [sflag:$0x2], $0x10000, $0x38;
	[tilespmem:$0x10400] =	vst v63  }
0x28: {  	_ =	swait.ge [sflag:s13], $0x10000  }
0x29: {  	[sflag:s13] =	ssyncset.done $0x0  }
0x2a: {  	[sflag:s13] =	ssyncadd.s32 $0xFFFF0000  }
0x2b: {  	[tilespmem:s2], [sflag:$0x2] =	stream.linear.gather [hbm4b:s5+s2], $0x400, $0x38;
	[tilespmem:$0x10400] =	vst v63  }
0x2c: {  	_ =	swait.ge [sflag:s13], $0x400  }
0x2d: {  	[sflag:s13] =	ssyncset.done $0x0  }
0x2e: {  	[sflag:s13] =	ssyncadd.s32 $0xFFFFFC00  }
0x2f: {  	[tilespmem:s14], [sflag:$0x1] =	stream.indirect.gather [hbm4b:s6+s14], $0x40, s2, s14, $0xb8;
	[tilespmem:$0x10400] =	vst v63  }
0x30: {  	_ =	swait.ge [sflag:s15], $0x10000  }
0x31: {  	[sflag:s15] =	ssyncset.done $0x0  }
0x32: {  	[sflag:s15] =	ssyncadd.s32 $0xFFFF0000  }
0x33: {  	[hbm4b:s10+s2] =	stream.linear.scatter [tilespmem:s14], [sflag:$0x2], $0x10000, $0x38;
	[tilespmem:$0x10400] =	vst v63  }
0x34: {  	_ =	swait.ge [sflag:s13], $0x10000  }
0x35: {  	[sflag:s13] =	ssyncset.done $0x0  }
0x36: {  	s17 =	sadd.s32 $0x0, s12;
	[sflag:s13] =	ssyncadd.s32 $0xFFFF0000  }
0x37: {  	[tilespmem:s2], [sflag:$0x2] =	stream.linear.gather [hbm4b:s17+s2], $0x400, $0x38;
	[tilespmem:$0x10400] =	vst v63  }
0x38: {  	_ =	swait.ge [sflag:s13], $0x400  }
0x39: {  	[sflag:s13] =	ssyncset.done $0x0  }
0x3a: {  	[sflag:s13] =	ssyncadd.s32 $0xFFFFFC00  }
0x3b: {  	[tilespmem:s14], [sflag:$0x1] =	stream.indirect.gather [hbm4b:s6+s14], $0x40, s2, s14, $0xb8;
	[tilespmem:$0x10400] =	vst v63  }
0x3c: {  	_ =	swait.ge [sflag:s15], $0x10000  }
0x3d: {  	[sflag:s15] =	ssyncset.done $0x0  }
0x3e: {  	[sflag:s15] =	ssyncadd.s32 $0xFFFF0000  }
0x3f: {  	[hbm4b:s11+s2] =	stream.linear.scatter [tilespmem:s14], [sflag:$0x2], $0x10000, $0x38;
	[tilespmem:$0x10400] =	vst v63  }
0x40: {  	s18 =	simm.s32 $0x80;
	_ =	swait.ge [sflag:s13], $0x10000  }
0x41: {  	s19 =	simm.s32 $0x100;
	s17 =	sadd.s32 $0x2000, s11;
	[sflag:s13] =	ssyncset.done $0x0  }
.LBB2_2:
0x42: {  	s20 =	sadd.s32 s18, s12  }
0x43: {  	[sflag:s13] =	ssyncadd.s32 $0xFFFF0000;
	s18 =	smov.u32 s19;
	s21 =	sadd.s32 $0x80, s19  }
0x44: {  	[tilespmem:s2], [sflag:$0x2] =	stream.linear.gather [hbm4b:s20+s2], $0x400, $0x38;
	[tilespmem:$0x10400] =	vst v63  }
0x45: {  	p0 =	sne.s32 s19, $0xC00;
	_ =	swait.ge [sflag:s13], $0x400  }
0x46: {  	[sflag:s13] =	ssyncset.done $0x0  }
0x47: {  	[sflag:s13] =	ssyncadd.s32 $0xFFFFFC00  }
0x48: {  	[tilespmem:s14], [sflag:$0x1] =	stream.indirect.gather [hbm4b:s6+s14], $0x40, s2, s14, $0xb8;
	[tilespmem:$0x10400] =	vst v63  }
0x49: {  	_ =	swait.ge [sflag:s15], $0x10000  }
.Ltmp0:
0x4a: {  	[sflag:s15] =	ssyncset.done $0x0;
	(pc) =	sbr.rel @p0 .LBB2_2-.Ltmp0, $4  }
0x4b: {  	[sflag:s15] =	ssyncadd.s32 $0xFFFF0000  }
0x4c: {  	[hbm4b:s17+s2] =	stream.linear.scatter [tilespmem:s14], [sflag:$0x2], $0x10000, $0x38;
	[tilespmem:$0x10400] =	vst v63  }
0x4d: {  	_ =	swait.ge [sflag:s13], $0x10000  }
0x4e: {  	s19 =	smov.u32 s21;
	s17 =	sadd.s32 $0x2000, s17;
	[sflag:s13] =	ssyncset.done $0x0  }
0x4f: {  	s18 =	sadd.s32 s18, s12;
	[sflag:s13] =	ssyncadd.s32 $0xFFFF0000  }
0x50: {  	[tilespmem:s2], [sflag:$0x2] =	stream.linear.gather [hbm4b:s18+s2], $0x400, $0x38;
	[tilespmem:$0x10400] =	vst v63  }
0x51: {  	_ =	swait.ge [sflag:s13], $0x400  }
0x52: {  	[sflag:s13] =	ssyncset.done $0x0  }
0x53: {  	[sflag:s13] =	ssyncadd.s32 $0xFFFFFC00  }
0x54: {  	[tilespmem:s14], [sflag:$0x1] =	stream.indirect.gather [hbm4b:s6+s14], $0x40, s2, s14, $0xb8;
	[tilespmem:$0x10400] =	vst v63  }
0x55: {  	s16 =	sadd.s32 $0x1, s16;
	_ =	swait.ge [sflag:s15], $0x10000  }
0x56: {  	p0 =	sne.s32 s16, s7;
	[sflag:s15] =	ssyncset.done $0x0  }
.Ltmp1:
0x57: {  	[sflag:s15] =	ssyncadd.s32 $0xFFFF0000;
	(pc) =	sbr.rel @p0 .LBB2_1-.Ltmp1, $4  }
0x58: {  	[hbm4b:s17+s2] =	stream.linear.scatter [tilespmem:s14], [sflag:$0x2], $0x10000, $0x38;
	[tilespmem:$0x10400] =	vst v63  }
0x59: {  	_ =	swait.ge [sflag:s13], $0x10000  }
0x5a: {  	[sflag:s13] =	ssyncset.done $0x0  }
0x5b: {  	[sflag:s13] =	ssyncadd.s32 $0xFFFF0000  }
0x5c: {  	_ =	sfence.sel $0x180000  }
0x5d: {  	[bflag:$0x0] =	sbarrier.arrive $0xFFFF  }
0x5e: {  	p0 =	sne.s32 s0, $0x0;
	_ =	strace $0x90000047  }
0x5f: {  	s0 =	sadd.s32 @!p0 $0x100000, s1;
	[bflag:$0x2] =	sbarrier.arrive $0xFFFF  }
0x60: {  	[sflag:s0] =	ssyncadd.tile.s32 @!p0 $0x1;
	_ =	shalt  }
.Lfunc_end2:
_tile_overlayer_lowered:
.L_overlay_start_2:
0x61: {  	(tag) =	ssettag $0x2  }
0x62: {  	s0 =	rddreg [dreg:$0x0];
	s2 =	stileid.u32  }
0x63: {  	s1 =	rddreg [dreg:$0x1];
	p0 =	sne.s32 s2, $0x0  }
0x64: {  	s3 =	rddreg [dreg:$0x2];
	[bflag:$0x3] =	sbarrier.arrive $0xFFFF;
	s2 =	simm.s32 @!p0 $0x1C02  }
0x65: {  	[timem:s3], [sflag:s2] =	dma.local @!p0 [hbm:s0], s1  }
0x66: {  	s0 =	simm.s32 @!p0 $0x2  }
0x67: {  	_ =	swait.ge @!p0 [sflag:s0], s1  }
0x68: {  	s1 =	ssub.s32 @!p0 $0x0, s1;
	[sflag:s0] =	ssyncset.done @!p0 $0x0  }
0x69: {  	[sflag:s0] =	ssyncadd.s32 @!p0 s1  }
0x6a: {  	[bflag:$0x3] =	sbarrier.arrive $0xFFFF  }
0x6b: {  	_ =	shalt  }

// kernel: sparse-core-data-format-call.cloned.1.call-start
scs
called_computation_lowered:
.L_overlay_start_0:
0x0: {  	s2 =	sld [smem:$0x3FD9]  }
0x1: {  	s3 =	sld [smem:$0x3FFE];
	_ =	sdelay $0x1  }
0x2: {  	s1 =	srdreg.scid  }
0x3: {  	s0 =	sand.u32 $0x1, s1  }
0x4: {  	s15 =	sshll.u32 s0, $0xA;
	s2 =	sadd.s32 s3, s2  }
0x5: {  	s2 =	sadd.s32 s2, s15  }
0x6: {  	[smem:$0x3FC5] =	sst s2  }
0x7: {  	_ = 	snop  }
0x8: {  	s2 =	sld [smem:$0x3FD0];
	_ =	sdelay $0x2  }
0x9: {  	s16 =	simm.s32 $0xA;
	s4 =	simm.s32 $0x10  }
0xa: {  	[smem:s4], [sflag:s16] =	dma.local [hbm:s2], $0x1  }
0xb: {  	_ =	swait.eq [sflag:s16], $0x1  }
0xc: {  	[sflag:s16] =	ssyncset.done $0x0  }
0xd: {  	[sflag:s16] =	ssyncadd.s32 $0xFFFFFFFF  }
0xe: {  	s17 =	sld [smem:$0x11];
	(tm) =	ssettm $0x1  }
0xf: {  	s18 =	sld [smem:$0x3FFB];
	_ =	sdelay $0x3  }
0x10: {  	_ =	strace s18  }
0x11: {  	s3 =	sld [smem:$0x3FFC];
	_ =	sdelay $0x3  }
0x12: {  	_ =	strace s3  }
0x13: {  	s3 =	sld [smem:$0x3FFD];
	_ =	sdelay $0x3  }
0x14: {  	_ =	strace s3  }
0x15: {  	_ =	strace $0x8FFFFFFF  }
0x16: {  	s19 =	sld [smem:$0x3FDB];
	_ =	sdelay $0x1  }
0x17: {  	s20 =	simm.s32 $_scs_section_size  }
0x18: {  	s5 =	simm.s32 $_size__tile_overlayer_lowered;
	s6 =	simm.s32 $_tile_overlayer_lowered  }
0x19: {  	s23 =	simm.s32 $0x1BFF;
	s22 =	sshll.u32 s6, $0x1;
	s3 =	sadd.s32 s20, s19  }
0x1a: {  	s7 =	simm.s32 $0x0;
	s21 =	sshll.u32 s5, $0x1;
	s5 =	sadd.s32 s22, s3  }
0x1b: {  	[timem:s7], [sflag:s23] =	dma.local [hbm:s5], s21  }
0x1c: {  	_ =	swait.ge [sflag:s23], s21  }
0x1d: {  	s4 =	ssub.s32 $0x0, s21;
	[sflag:s23] =	ssyncset.done $0x0  }
0x1e: {  	[sflag:s23] =	ssyncadd.s32 s4;
	_ =	sdelay $0x1  }
0x1f: {  	s24 =	simm.s32 $0x1B8B  }
0x20: {  	_ =	swait.ge [sflag:s24], $0x1  }
0x21: {  	[sflag:s24] =	ssyncset.done $0x0  }
0x22: {  	s26 =	simm.s32 $0x1B8E;
	s25 =	sld [smem:$0x3FFE];
	[sflag:s24] =	ssyncadd.s32 $0xFFFFFFFF  }
0x23: {  	s27 =	simm.s32 $execute0_lowered;
	[smem:$0x3FD2] =	sst s26  }
0x24: {  	s5 =	sshll.u32 s27, $0x1;
	_ =	strace $0x80000049;
	[dreg:$0x1] =	wrdreg $0xFFFFFFFF  }
0x25: {  	s28 =	simm.s32 $_size_execute0_lowered;
	s3 =	sadd.s32 s3, s5;
	[dreg:$0x0] =	wrdreg $0x0  }
0x26: {  	s5 =	sshll.u32 s28, $0x1;
	[dreg:$0x2] =	wrdreg s3  }
0x27: {  	[dreg:$0x3] =	wrdreg s5  }
0x28: {  	[dreg:$0x4] =	wrdreg $0xC0  }
0x29: {  	_ =	task [dreg:s7], $0x5FFFF  }
0x2a: {  	[dreg:$0x1] =	wrdreg $0xFFFFFFFF  }
0x2b: {  	[dreg:$0x0] =	wrdreg $0x60  }
0x2c: {  	[dreg:$0x2] =	wrdreg s25  }
0x2d: {  	[dreg:$0x3] =	wrdreg s17  }
0x2e: {  	[dreg:$0x4] =	wrdreg $0x9  }
0x2f: {  	_ =	task.clear_ibuf [dreg:s7], $0x5FFFF;
	_ =	strace $0x90000049  }
0x30: {  	s29 =	simm.s32 $0x9;
	_ =	strace $0x8000004B  }
0x31: {  	_ =	swait.ge [sflag:s29], $0x1  }
0x32: {  	[sflag:s29] =	ssyncadd.s32 $0xFFFFFFFF  }
0x33: {  	_ =	strace $0x9000004B  }
0x34: {  	_ =	sfence  }
0x35: {  	s30 =	sld [smem:$0x0];
	_ =	sdelay $0x2  }
0x36: {  	s31 =	sshll.u32 s1, $0xD;
	s1 =	sshrl.u32 s1, $0x2  }
0x37: {  	s3 =	sand.u32 $0x4000, s31;
	s1 =	sadd.s32 s1, s30  }
0x38: {  	s0 =	sor.u32 s3, s0;
	s1 =	sshll.u32 s1, $0x11  }
0x39: {  	s0 =	sor.u32 s1, s0  }
0x3a: {  	s0 =	sadd.s32 $0x8F2B, s0  }
0x3b: {  	[sflag:s0] =	ssyncadd.remote.s32 $0x1  }
0x3c: {  	_ =	sfence.sel $0xFFFF  }
0x3d: {  	[dreg:$0x0] =	wrdreg $0xFFFFFFFF;
	(pc) =	sbr.abs _section_cstart, $3  }
0x3e: {  	[dreg:$0x1] =	wrdreg $0xFFFFFFFF  }
0x3f: {  	_ =	task.clear_ibuf [dreg:s7], $0x2FFFF;
	_ =	strace $0x9FFFFFFF  }
0x40: {  	(tm) =	ssettm $0x7FFFFFFF  }
0x41: {  	_ =	shalt  }
tec
execute0_lowered:
.L_overlay_start_1:
0x0: {  	(tag) =	ssettag $0x1  }
0x1: {  	s0 =	srdreg.scid  }
0x2: {  	s1 =	sshll.u32 s0, $0x4  }
0x3: {  	s4 =	rddreg [dreg:$0x0];
	s0 =	stileid.u32;
	s1 =	sand.u32 $0x10, s1  }
0x4: {  	s2 =	rddreg [dreg:$0x1];
	s7 =	simm.s32 $0x1;
	s1 =	sor.u32 s0, s1  }
0x5: {  	s8 =	simm.s32 $0x2;
	s11 =	simm.s32 $0x0;
	s3 =	sshll.u32 s1, $0x7  }
0x6: {  	s10 =	simm.s32 $0x0;
	s4 =	sadd.s32 $0xE00, s4;
	s6 =	ssub.s32 $0xC8000, s3  }
.Ltmp0:
0x7: {  	s1 =	rddreg [dreg:$0x2];
	s5 =	sand.u32 $0xF80, s6;
	(pc) =	sbr.rel .LBB1_1-.Ltmp0, $4  }
0x8: {  	_ =	strace $0x8000004A;
	s9 =	smov.u32 s3;
	p0 =	sne.s32 s5, $0x0  }
0x9: {  	s6 =	sshrl.u32 s6, $0xC;
	s5 =	simm.s32 $0x1;
	s7 =	simm.s32 @!p0 $0x0  }
0xa: {  	[sflag:s5] =	ssyncpa.u1 $0x0;
	p0 =	por $0x0, $0x0;
	s6 =	sadd.s32 s7, s6  }
0xb: {  	[sflag:s8] =	ssyncpa.u1 $0x0;
	s8 =	simm.s32 $0x640000;
	s7 =	sadd.s32 $0x1, s6  }
.LBB1_4:
0xc: {  	s14 =	sshll.u32 s11, $0x3  }
0xd: {  	s30 =	sand.u32 $0x7F, s11;
	s15 =	sand.u32 $0xFFFFFC00, s14  }
0xe: {  	s11 =	sor.u32 s30, s15  }
0xf: {  	s15 =	smulhi.u32 $0x51EB851F, s11  }
0x10: {  	s14 =	smulhi.u32 $0x51EB851F, s14  }
0x11: {  	s15 =	sshrl.u32 s15, $0x12  }
0x12: {  	s14 =	sshrl.u32 s14, $0x12;
	s15 =	smul.u32 $0xC8000, s15  }
0x13: {  	s14 =	sand.u32 $0x3F, s14  }
0x14: {  	s14 =	smul.u32 $0x19000, s14;
	s11 =	ssub.s32 s11, s15  }
0x15: {  	[tilespmem:s13+$0x810 ss:$0x81] =	vst.msk $0xffff, v2;
	s15 =	sand.u32 $0x7, s11  }
0x16: {  	[tilespmem:s13+$0x1020 ss:$0x81] =	vst.msk $0xffff, v0;
	s14 =	sadd.s32 s2, s14;
	s11 =	sshrl.u32 s11, $0x3;
	s15 =	sshll.u32 s15, $0x12  }
0x17: {  	[tilespmem:s13+$0x0 ss:$0x81] =	vst.msk $0xffff, v1;
	s11 =	sadd.s32 s11, s14;
	s31 =	sor.u32 $0x400, s15  }
0x18: {  	[hbm4b:s11+s31] =	stream.strided.scatter [tilespmem:s12], [sflag:$0x2], $0x2000, s8, s31, $0x20;
	[tilespmem:$0x8080] =	vst v63  }
.LBB1_5:
0x19: {  	s13 =	sadd.s32 $0x1000, s9  }
0x1a: {  	p2 =	sgt.s32 s13, $0xC7FFF  }
0x1b: {  	s13 =	smov.u32 @p2 s3;
	p2 =	sne.s32 s10, s7  }
.Ltmp1:
0x1c: {  	p1 =	slt.u32 s10, $0x2;
	(pc) =	sbr.rel @!p2 .LBB1_6-.Ltmp1, $4  }
0x1d: {  	s12 =	simm.s32 @!p1 $0x2  }
0x1e: {  	s14 =	sadd.s32 $0x1, s10;
	_ =	swait.ge @!p1 [sflag:s12], $0x2000  }
0x1f: {  	s11 =	smov.u32 s9;
	p0 =	por !p0, !p0;
	[sflag:s12] =	ssyncset.done @!p1 $0x0  }
0x20: {  	s10 =	smov.u32 s14;
	s9 =	smov.u32 s13;
	[sflag:s12] =	ssyncadd.s32 @!p1 $0xFFFFE000  }
.LBB1_1:
0x21: {  	p1 =	sge.u32 s10, s6  }
0x22: {  	s12 =	sand.u32 @!p1 $0x1FFFFFF, s9  }
0x23: {  	s13 =	smulhi.u32 @!p1 $0x147AE15, s12;
	_ =	sdelay $0x1  }
0x24: {  	s13 =	sshrl.u32 @!p1 s13, $0xC  }
0x25: {  	s13 =	smul.u32 @!p1 $0xC8000, s13;
	_ =	sdelay $0x1  }
0x26: {  	s31 =	sadd.s32 $0xFFFFFFFF, s10;
	s14 =	sxor.u32 @!p1 $0xFFFFFFFF, s10;
	s12 =	ssub.s32 @!p1 s12, s13  }
0x27: {  	s15 =	simm.s32 @!p1 $0x80;
	s14 =	sshll.u32 @!p1 s14, $0xD;
	s12 =	sshll.u32 @!p1 s12, $0x4  }
0x28: {  	s13 =	sand.u32 @!p1 $0x2000, s14;
	s14 =	simm.s32 @!p1 $0x40;
	s12 =	sadd.s32 @!p1 s4, s12  }
0x29: {  	[tilespmem:s13], [sflag:$0x1] =	stream.strided.gather @!p1 [hbm4b:s12+s14], $0x2000, s15, s14, $0x38;
	[tilespmem:$0x8080] =	vst v63  }
0x2a: {  	p1 =	sge.u32 s31, s6  }
.Ltmp2:
0x2b: {  	_ = 	snop;
	(pc) =	sbr.rel @p1 .LBB1_5-.Ltmp2, $1  }
0x2c: {  	_ =	sdelay $0x3  }
0x2d: {  	s12 =	simm.s32 $0x1  }
0x2e: {  	_ =	swait.ge [sflag:s5], $0x2000;
	s12 =	simm.s32 @!p0 $0x0  }
0x2f: {  	[sflag:s5] =	ssyncset.done $0x0;
	s13 =	sshll.u32 s12, $0xD  }
0x30: {  	[sflag:s5] =	ssyncadd.s32 $0xFFFFE000;
	s16 =	sor.u32 $0x20, s13  }
0x31: {  	s12 =	smul.u32 $0x8100, s12;
	v3 =	vld [tilespmem:s16+$0x10]  }
0x32: {  	s30 =	sand.u32 $0x1, s10;
	v2 =	vld [tilespmem:s16+$0xFFFFFFF0]  }
0x33: {  	s13 =	smul.u32 $0x8100, s30;
	s12 =	sshrl.u32 s12, $0x2;
	v0 =	vld [tilespmem:s16+$0x0]  }
0x34: {  	v1 =	vld [tilespmem:s16+$0xFFFFFFE0];
	s14 =	sor.u32 $0x4000, s12  }
0x35: {  	s31 =	sshrl.u32 s13, $0x2;
	s13 =	sadd.s32 $0x0, s14  }
0x36: {  	s15 =	simm.s32 $0x4;
	s16 =	sadd.s32 $0x40, s16;
	s12 =	sor.u32 $0x4000, s31;
	[tilespmem:s13+$0x1830 ss:$0x81] =	vst.msk $0xffff, v3  }
.LBB1_3:
0x37: {  	v3 =	vld [tilespmem:s16+$0x10];
	p1 =	sne.s32 s15, $0x1FC;
	[tilespmem:s13+$0x810 ss:$0x81] =	vst.msk $0xffff, v2;
	s17 =	smov.u32 s15;
	s15 =	sadd.s32 $0x4, s15  }
.Ltmp3:
0x38: {  	v2 =	vld [tilespmem:s16+$0xFFFFFFF0];
	[tilespmem:s13+$0x1020 ss:$0x81] =	vst.msk $0xffff, v0;
	(pc) =	sbr.rel @p1 .LBB1_3-.Ltmp3, $4  }
0x39: {  	v0 =	vld [tilespmem:s16+$0x0];
	[tilespmem:s13+$0x0 ss:$0x81] =	vst.msk $0xffff, v1  }
0x3a: {  	s13 =	sshra.s32 s17, $0x2;
	v1 =	vld [tilespmem:s16+$0xFFFFFFE0]  }
0x3b: {  	s13 =	sadd.s32 s13, s14  }
0x3c: {  	s16 =	sadd.s32 $0x40, s16;
	[tilespmem:s13+$0x1830 ss:$0x81] =	vst.msk $0xffff, v3  }
.Ltmp4:
0x3d: {  	_ = 	snop;
	(pc) =	sbr.rel .LBB1_4-.Ltmp4, $1  }
0x3e: {  	_ =	sdelay $0x3  }
.LBB1_6:
0x3f: {  	_ =	sfence.sel $0x180000  }
0x40: {  	s2 =	simm.s32 $0x1;
	[bflag:$0x0] =	sbarrier.arrive $0xFFFF  }
0x41: {  	s31 =	simm.s32 $0x2;
	[sflag:s2] =	ssyncpa.u1 $0x1  }
0x42: {  	[sflag:s31] =	ssyncpa.u1 $0x1  }
0x43: {  	p0 =	sne.s32 s0, $0x0;
	_ =	strace $0x9000004A  }
0x44: {  	s0 =	sadd.s32 @!p0 $0x100000, s1;
	[bflag:$0x2] =	sbarrier.arrive $0xFFFF  }
0x45: {  	[sflag:s0] =	ssyncadd.tile.s32 @!p0 $0x1;
	_ =	shalt  }
.Lfunc_end1:
_tile_overlayer_lowered:
.L_overlay_start_2:
0x46: {  	(tag) =	ssettag $0x2  }
0x47: {  	s0 =	rddreg [dreg:$0x0];
	s2 =	stileid.u32  }
0x48: {  	s1 =	rddreg [dreg:$0x1];
	p0 =	sne.s32 s2, $0x0  }
0x49: {  	s3 =	rddreg [dreg:$0x2];
	[bflag:$0x3] =	sbarrier.arrive $0xFFFF;
	s2 =	simm.s32 @!p0 $0x1C01  }
0x4a: {  	[timem:s3], [sflag:s2] =	dma.local @!p0 [hbm:s0], s1  }
0x4b: {  	s0 =	simm.s32 @!p0 $0x1  }
0x4c: {  	_ =	swait.ge @!p0 [sflag:s0], s1  }
0x4d: {  	s1 =	ssub.s32 @!p0 $0x0, s1;
	[sflag:s0] =	ssyncset.done @!p0 $0x0  }
0x4e: {  	[sflag:s0] =	ssyncadd.s32 @!p0 s1  }
0x4f: {  	[bflag:$0x3] =	sbarrier.arrive $0xFFFF  }
0x50: {  	_ =	shalt  }

</sc_bundles>
